<compile_context>
chip_gen: v7x
topology: tpu7x:2x2x1
jax: 0.10.2.dev20260603
libtpu: 0.0.44.dev20260713+nightly
codegen_flags: <defaults>
</compile_context>

<pallas_src>
import functools

import jax
import jax.numpy as jnp
import numpy as np
from jax import lax
from jax.experimental import pallas as pl
from jax.experimental.pallas import tpu as pltpu
from jax.experimental.pallas import tpu_sc as plsc

N_NODES = 10000
NUMS = [5000, 3000, 2000]
NUM_HIDDEN = 64
NUM_CLASSES = 16
NUM_LAYERS = 2
HEADS = [2, 2, 1]
N_GRAPHS = 2
N_TYPES = 3
E_EDGES = 160000
NEG_SLOPE = 0.2

NC, NS, LANES = 2, 16, 16
NW = NC * NS

_TYPE_OF = np.concatenate([np.full(NUMS[k], k, np.int32) for k in range(N_TYPES)])



def _mm_bias(a, b, bias):
    def body(a_ref, b_ref, c_ref, o_ref):
        o_ref[...] = jnp.dot(a_ref[...], b_ref[...],
                             preferred_element_type=jnp.float32) + c_ref[...]
    return pl.pallas_call(
        body,
        out_shape=jax.ShapeDtypeStruct((a.shape[0], b.shape[1]), jnp.float32),
    )(a, b, bias)


def _pack_rows(e, o):
    ue = lax.bitcast_convert_type(e, jnp.uint32)
    uo = lax.bitcast_convert_type(o, jnp.uint32)
    pe = (ue + jnp.uint32(0x8000)) >> 16
    po = (uo + jnp.uint32(0x8000)) & jnp.uint32(0xffff0000)
    return lax.bitcast_convert_type(pe | po, jnp.int32)


def _mm_pack(a, b, P, nextra):
    ncols = b.shape[1]

    def body(a_ref, b_ref, pk0, pk1, ex):
        x = jnp.dot(a_ref[...], b_ref[...], preferred_element_type=jnp.float32)
        pk0[...] = _pack_rows(x[0:P // 2], x[P // 2:P])
        pk1[...] = _pack_rows(x[P:P + P // 2], x[P + P // 2:2 * P])
        ex[...] = x[2 * P:2 * P + nextra]

    return pl.pallas_call(
        body,
        out_shape=(jax.ShapeDtypeStruct((P // 2, ncols), jnp.int32),
                   jax.ShapeDtypeStruct((P // 2, ncols), jnp.int32),
                   jax.ShapeDtypeStruct((nextra, ncols), jnp.float32)),
    )(a, b)


def _combine_hidden(acc0, acc1, dp0, dp1, b0, b1, wv, hres, H, D, use_res):
    P = H * D

    def body(*refs):
        if use_res:
            a0, a1, d0, d1, b0r, b1r, wvr, hr, o = refs
        else:
            a0, a1, d0, d1, b0r, b1r, wvr, o = refs
            hr = None
        outs = []
        for g, (a, d, br) in enumerate(((a0, d0, b0r), (a1, d1, b1r))):
            invs = []
            for h in range(H):
                den = jnp.sum(d[h * NW:(h + 1) * NW, :], axis=0, keepdims=True)
                invs.append(jnp.broadcast_to(1.0 / (den + 1e-16), (D, den.shape[1])))
            inv = jnp.concatenate(invs, axis=0)
            x = a[...] * inv + br[...]
            if hr is not None:
                x = x + hr[...]
            x = jnp.where(x > 0, x, jnp.exp(jnp.minimum(x, 0.0)) - 1.0)
            outs.append(x * jnp.broadcast_to(wvr[g:g + 1, :], x.shape))
        o[...] = outs[0] + outs[1]

    args = [acc0, acc1, dp0, dp1, b0, b1, wv] + ([hres] if use_res else [])
    return pl.pallas_call(
        body,
        out_shape=jax.ShapeDtypeStruct((P, N_NODES), jnp.float32),
    )(*args)


def _combine_final(acc_both, dp_both, b0, b1, res0, res1, wv):
    def body(ab, db, b0r, b1r, r0, r1, wvr, o):
        outs = []
        for g, (br, rr) in enumerate(((b0r, r0), (b1r, r1))):
            den = jnp.sum(db[g * NS:(g + 1) * NS, :], axis=0, keepdims=True)
            inv = jnp.broadcast_to(1.0 / (den + 1e-16), (NUM_CLASSES, den.shape[1]))
            acc = ab[g * NUM_CLASSES:(g + 1) * NUM_CLASSES, :]
            x = acc * inv + br[...] + rr[...]
            outs.append(x * jnp.broadcast_to(wvr[g:g + 1, :], x.shape))
        o[...] = outs[0] + outs[1]

    return pl.pallas_call(
        body,
        out_shape=jax.ShapeDtypeStruct((NUM_CLASSES, N_NODES), jnp.float32),
    )(acc_both, dp_both, b0, b1, res0, res1, wv)



def _sc_mesh():
    return plsc.VectorSubcoreMesh(core_axis_name="c", subcore_axis_name="s",
                                  num_cores=NC, num_subcores=NS)


_SC_PARAMS = pltpu.CompilerParams(needs_layout_passes=False)


@functools.partial(jax.jit, static_argnames=("H",))
def _sc_alpha(elr, src, dst, H):
    EPT = E_EDGES // NW
    EPTP = ((EPT + LANES - 1) // LANES) * LANES
    NIT = EPTP // LANES

    scratch = ([pltpu.VMEM((N_NODES,), jnp.float32)] * (3 * H)
               + [pltpu.VMEM((EPTP,), jnp.int32)] * 2
               + [pltpu.VMEM((EPTP,), jnp.float32)] * H
               + [pltpu.SemaphoreType.DMA])

    @functools.partial(
        pl.kernel,
        out_type=(jax.ShapeDtypeStruct((H * E_EDGES,), jnp.float32),
                  jax.ShapeDtypeStruct((H * NW * N_NODES,), jnp.float32)),
        mesh=_sc_mesh(),
        scratch_types=scratch,
        compiler_params=_SC_PARAMS,
    )
    def k(elr_h, src_h, dst_h, au_h, dp_h, *scr):
        el_loc = scr[0:H]
        er_loc = scr[H:2 * H]
        den = scr[2 * H:3 * H]
        srcb, dstb = scr[3 * H], scr[3 * H + 1]
        aub = scr[3 * H + 2:3 * H + 2 + H]
        sem = scr[3 * H + 2 + H]

        wid = lax.axis_index("c") * NS + lax.axis_index("s")
        base = wid * EPT
        copies = []
        for h in range(H):
            copies.append((elr_h.at[pl.ds(h * N_NODES, N_NODES)], el_loc[h]))
            copies.append((elr_h.at[pl.ds((H + h) * N_NODES, N_NODES)],
                           er_loc[h]))
        copies.append((src_h.at[pl.ds(base, EPT)], srcb.at[pl.ds(0, EPT)]))
        copies.append((dst_h.at[pl.ds(base, EPT)], dstb.at[pl.ds(0, EPT)]))
        for s_ref, d_ref in copies:
            pltpu.async_copy(s_ref, d_ref, sem)

        def zero_body(i, _):
            for h in range(H):
                den[h][pl.ds(i * LANES, LANES)] = jnp.zeros((LANES,), jnp.float32)
            return 0
        lax.fori_loop(0, N_NODES // LANES, zero_body, 0)

        for s_ref, d_ref in copies:
            pltpu.make_async_copy(s_ref, d_ref, sem).wait()

        if EPTP != EPT:
            lane = lax.iota(jnp.int32, LANES)
            keep = lane < (LANES - (EPTP - EPT))
            tail = pl.ds(EPTP - LANES, LANES)
            srcb[tail] = jnp.where(keep, srcb[tail], 0)
            dstb[tail] = jnp.where(keep, dstb[tail], 0)

        lane = lax.iota(jnp.int32, LANES)

        def body(i, _):
            kofs = i * LANES
            s16 = srcb[pl.ds(kofs, LANES)]
            d16 = dstb[pl.ds(kofs, LANES)]
            valid = (kofs + lane) < EPT
            for h in range(H):
                ev = plsc.load_gather(el_loc[h], [s16])
                rv = plsc.load_gather(er_loc[h], [d16])
                e = ev + rv
                e = jnp.where(e > 0, e, NEG_SLOPE * e)
                a = jnp.exp(e)
                aub[h][pl.ds(kofs, LANES)] = a
                plsc.addupdate_scatter(den[h], [d16], a, mask=valid)
            return 0
        lax.fori_loop(0, NIT, body, 0)

        for h in range(H):
            pltpu.sync_copy(aub[h].at[pl.ds(0, EPT)],
                            au_h.at[pl.ds(h * E_EDGES + base, EPT)])
            pltpu.sync_copy(den[h],
                            dp_h.at[pl.ds((h * NW + wid) * N_NODES, N_NODES)])

    return k(elr, src, dst)


@functools.partial(jax.jit, static_argnames=("H", "D", "esplit", "packed"))
def _sc_aggregate(featT, au, src, dst, H, D, esplit, packed):
    P = H * D
    PPT = P * esplit // NW
    NG = P // PPT
    EP = E_EDGES // esplit
    CH = 8000
    NCH = EP // CH
    UNROLL = 10
    NPHYS = PPT // 2 if packed else PPT
    fdt = jnp.int32 if packed else jnp.float32

    NACC = PPT
    scratch = (
        [pltpu.VMEM((N_NODES,), fdt) for _ in range(NPHYS)]
        + [pltpu.VMEM((N_NODES,), jnp.float32) for _ in range(NACC)]
        + [pltpu.VMEM((CH,), jnp.int32) for _ in range(2)]
        + [pltpu.VMEM((CH,), jnp.int32) for _ in range(2)]
        + [pltpu.VMEM((CH,), jnp.float32) for _ in range(2)]
        + [pltpu.SemaphoreType.DMA for _ in range(2)]
    )

    @functools.partial(
        pl.kernel,
        out_type=jax.ShapeDtypeStruct((esplit * P * N_NODES,), jnp.float32),
        mesh=_sc_mesh(),
        scratch_types=scratch,
        compiler_params=_SC_PARAMS,
    )
    def k(featT_h, au_h, src_h, dst_h, out_h, *scr):
        fps = scr[0:NPHYS]
        aps = scr[NPHYS:NPHYS + PPT]
        o = NPHYS + NACC
        srccs = scr[o:o + 2]
        dstcs = scr[o + 2:o + 4]
        aucs = scr[o + 4:o + 6]
        isems = scr[o + 6:o + 8]

        wid = lax.axis_index("c") * NS + lax.axis_index("s")
        g = wid % NG
        s = wid // NG
        pbase = g * PPT
        h = pbase // D
        fbase = g * NPHYS
        for p in range(NPHYS):
            pltpu.sync_copy(
                featT_h.at[pl.ds((fbase + p) * N_NODES, N_NODES)], fps[p])

        def zero_body(i, _):
            for r in aps:
                r[pl.ds(i * LANES, LANES)] = jnp.zeros((LANES,), jnp.float32)
            return 0
        lax.fori_loop(0, N_NODES // LANES, zero_body, 0)

        ebase = s * EP

        def issue_idx(c, b):
            off = ebase + c * CH
            pltpu.async_copy(src_h.at[pl.ds(off, CH)], srccs[b], isems[b])
            pltpu.async_copy(dst_h.at[pl.ds(off, CH)], dstcs[b], isems[b])
            pltpu.async_copy(au_h.at[pl.ds(h * E_EDGES + off, CH)],
                             aucs[b], isems[b])

        def drain_idx(c, b):
            off = ebase + c * CH
            pltpu.make_async_copy(src_h.at[pl.ds(off, CH)], srccs[b],
                                  isems[b]).wait()
            pltpu.make_async_copy(dst_h.at[pl.ds(off, CH)], dstcs[b],
                                  isems[b]).wait()
            pltpu.make_async_copy(au_h.at[pl.ds(h * E_EDGES + off, CH)],
                                  aucs[b], isems[b]).wait()

        issue_idx(0, 0)
        issue_idx(1, 1)

        def chunk_pair(j, _):
            for b in range(2):
                c = 2 * j + b
                drain_idx(c, b)

                def body(i, _):
                    for u in range(UNROLL):
                        kofs = i * (LANES * UNROLL) + u * LANES
                        s16 = srccs[b][pl.ds(kofs, LANES)]
                        d16 = dstcs[b][pl.ds(kofs, LANES)]
                        a16 = aucs[b][pl.ds(kofs, LANES)]
                        if packed:
                            tgt = aps
                            for p in range(NPHYS):
                                w = plsc.load_gather(fps[p], [s16])
                                ve = plsc.bitcast(w << 16, jnp.float32)
                                vo = plsc.bitcast(w & jnp.int32(-65536),
                                                  jnp.float32)
                                plsc.addupdate_scatter(tgt[2 * p], [d16],
                                                       ve * a16)
                                plsc.addupdate_scatter(tgt[2 * p + 1], [d16],
                                                       vo * a16)
                        else:
                            for p in range(PPT):
                                v = plsc.load_gather(fps[p], [s16])
                                plsc.addupdate_scatter(aps[p], [d16], v * a16)
                    return 0
                lax.fori_loop(0, CH // (LANES * UNROLL), body, 0)

                @pl.when(c + 2 < NCH)
                def _():
                    issue_idx(c + 2, b)
            return 0
        lax.fori_loop(0, NCH // 2, chunk_pair, 0)

        for p in range(PPT):
            pltpu.sync_copy(aps[p],
                            out_h.at[pl.ds((s * P + pbase + p) * N_NODES,
                                           N_NODES)])

    return k(featT, au, src, dst)


@jax.jit
def _sc_alpha_final(elr_both, src_both, dst_both):
    EPT = E_EDGES // NS
    NIT = EPT // LANES

    scratch = ([pltpu.VMEM((N_NODES,), jnp.float32)] * 3
               + [pltpu.VMEM((EPT,), jnp.int32)] * 2
               + [pltpu.VMEM((EPT,), jnp.float32)]
               + [pltpu.SemaphoreType.DMA])

    @functools.partial(
        pl.kernel,
        out_type=(jax.ShapeDtypeStruct((2 * E_EDGES,), jnp.float32),
                  jax.ShapeDtypeStruct((NW * N_NODES,), jnp.float32)),
        mesh=_sc_mesh(),
        scratch_types=scratch,
        compiler_params=_SC_PARAMS,
    )
    def k(elr_h, src_h, dst_h, au_h, dp_h, el_loc, er_loc, den,
          srcb, dstb, aub, sem):
        wid = lax.axis_index("c") * NS + lax.axis_index("s")
        g = wid // NS
        t = wid % NS
        base = g * E_EDGES + t * EPT
        copies = [
            (elr_h.at[pl.ds(g * 2 * N_NODES, N_NODES)], el_loc),
            (elr_h.at[pl.ds(g * 2 * N_NODES + N_NODES, N_NODES)], er_loc),
            (src_h.at[pl.ds(base, EPT)], srcb),
            (dst_h.at[pl.ds(base, EPT)], dstb),
        ]
        for s_ref, d_ref in copies:
            pltpu.async_copy(s_ref, d_ref, sem)

        def zero_body(i, _):
            den[pl.ds(i * LANES, LANES)] = jnp.zeros((LANES,), jnp.float32)
            return 0
        lax.fori_loop(0, N_NODES // LANES, zero_body, 0)

        for s_ref, d_ref in copies:
            pltpu.make_async_copy(s_ref, d_ref, sem).wait()

        def body(i, _):
            kofs = i * LANES
            s16 = srcb[pl.ds(kofs, LANES)]
            d16 = dstb[pl.ds(kofs, LANES)]
            e = plsc.load_gather(el_loc, [s16]) + plsc.load_gather(er_loc, [d16])
            e = jnp.where(e > 0, e, NEG_SLOPE * e)
            a = jnp.exp(e)
            aub[pl.ds(kofs, LANES)] = a
            plsc.addupdate_scatter(den, [d16], a)
            return 0
        lax.fori_loop(0, NIT, body, 0)

        pltpu.sync_copy(aub, au_h.at[pl.ds(base, EPT)])
        pltpu.sync_copy(den, dp_h.at[pl.ds(wid * N_NODES, N_NODES)])

    return k(elr_both, src_both, dst_both)


@jax.jit
def _sc_aggregate_final(featT_both, au_both, src_both, dst_both):
    P = NUM_CLASSES
    CH = 8000
    NCH = E_EDGES // CH

    scratch = (
        [pltpu.VMEM((N_NODES,), jnp.float32)] * 2
        + [pltpu.VMEM((CH,), jnp.int32) for _ in range(4)]
        + [pltpu.VMEM((CH,), jnp.float32) for _ in range(2)]
        + [pltpu.SemaphoreType.DMA for _ in range(2)]
    )

    @functools.partial(
        pl.kernel,
        out_type=jax.ShapeDtypeStruct((2 * P * N_NODES,), jnp.float32),
        mesh=_sc_mesh(),
        scratch_types=scratch,
        compiler_params=_SC_PARAMS,
    )
    def k(featT_h, au_h, src_h, dst_h, out_h, fp, ap,
          srcc0, srcc1, dstc0, dstc1, auc0, auc1, sem0, sem1):
        srccs, dstcs, aucs = (srcc0, srcc1), (dstc0, dstc1), (auc0, auc1)
        isems = (sem0, sem1)
        wid = lax.axis_index("c") * NS + lax.axis_index("s")
        g = wid // P
        p = wid % P
        pofs = (g * P + p) * N_NODES
        pltpu.sync_copy(featT_h.at[pl.ds(pofs, N_NODES)], fp)

        def zero_body(i, _):
            ap[pl.ds(i * LANES, LANES)] = jnp.zeros((LANES,), jnp.float32)
            return 0
        lax.fori_loop(0, N_NODES // LANES, zero_body, 0)

        ebase = g * E_EDGES

        def issue_idx(c, b):
            off = ebase + c * CH
            pltpu.async_copy(src_h.at[pl.ds(off, CH)], srccs[b], isems[b])
            pltpu.async_copy(dst_h.at[pl.ds(off, CH)], dstcs[b], isems[b])
            pltpu.async_copy(au_h.at[pl.ds(off, CH)], aucs[b], isems[b])

        def drain_idx(c, b):
            off = ebase + c * CH
            pltpu.make_async_copy(src_h.at[pl.ds(off, CH)], srccs[b],
                                  isems[b]).wait()
            pltpu.make_async_copy(dst_h.at[pl.ds(off, CH)], dstcs[b],
                                  isems[b]).wait()
            pltpu.make_async_copy(au_h.at[pl.ds(off, CH)], aucs[b],
                                  isems[b]).wait()

        issue_idx(0, 0)
        issue_idx(1, 1)

        def chunk_pair(j, _):
            for b in range(2):
                c = 2 * j + b
                drain_idx(c, b)

                def body(i, _):
                    for u in range(10):
                        kofs = i * (LANES * 10) + u * LANES
                        s16 = srccs[b][pl.ds(kofs, LANES)]
                        d16 = dstcs[b][pl.ds(kofs, LANES)]
                        a16 = aucs[b][pl.ds(kofs, LANES)]
                        v = plsc.load_gather(fp, [s16])
                        plsc.addupdate_scatter(ap, [d16], v * a16)
                    return 0
                lax.fori_loop(0, CH // (LANES * 10), body, 0)

                @pl.when(c + 2 < NCH)
                def _():
                    issue_idx(c + 2, b)
            return 0
        lax.fori_loop(0, NCH // 2, chunk_pair, 0)

        pltpu.sync_copy(ap, out_h.at[pl.ds(pofs, N_NODES)])

    return k(featT_both, au_both, src_both, dst_both)



def kernel(feat0, feat1, feat2, edge_index_g0, edge_index_g1, params):
    graphs = [(edge_index_g0[0].astype(jnp.int32), edge_index_g0[1].astype(jnp.int32)),
              (edge_index_g1[0].astype(jnp.int32), edge_index_g1[1].astype(jnp.int32))]
    w = jax.nn.softmax(params['rel_weights'], axis=2)
    type_of = jnp.asarray(_TYPE_OF)

    hs = []
    for i, f in enumerate((feat0, feat1, feat2)):
        p = params['fc'][i]
        hs.append(_mm_bias(p['W'].T, f.T, p['b'][:, None]))
    hT = jnp.concatenate(hs, axis=1)

    D = NUM_HIDDEN
    for l in range(NUM_LAYERS):
        H = HEADS[l]
        P = H * D
        perm = np.concatenate([np.arange(0, P, 2), np.arange(1, P, 2)])
        cols = []
        for i in range(N_GRAPHS):
            cols.append(params['gat'][i][l]['W'][:, perm])
        for i in range(N_GRAPHS):
            pg = params['gat'][i][l]
            al = [pg['W'][:, h * D:(h + 1) * D] @ pg['attn_l'][h] for h in range(H)]
            ar = [pg['W'][:, h * D:(h + 1) * D] @ pg['attn_r'][h] for h in range(H)]
            cols.append(jnp.stack(al + ar, axis=1))
        A = jnp.concatenate(cols, axis=1).T
        pk0, pk1, elr_all = _mm_pack(A, hT, P, 4 * H)
        pks = (pk0, pk1)
        accs, dps = [], []
        for i in range(N_GRAPHS):
            src, dst = graphs[i]
            elr = elr_all[2 * H * i:2 * H * (i + 1)]
            au, dp = _sc_alpha(elr.reshape(-1), src, dst, H)
            acc = _sc_aggregate(pks[i].reshape(-1), au, src, dst, H, D, 1,
                                packed=True)
            accs.append(acc.reshape(P, N_NODES))
            dps.append(dp.reshape(H * NW, N_NODES))
        wv = jnp.stack([w[type_of, l, i] for i in range(N_GRAPHS)])
        b0 = params['gat'][0][l]['bias'][:, None]
        b1 = params['gat'][1][l]['bias'][:, None]
        hT = _combine_hidden(accs[0], accs[1], dps[0], dps[1], b0, b1, wv,
                             hT, H, D, use_res=(l > 0))

    H, Df = HEADS[-1], NUM_CLASSES
    cols = []
    for i in range(N_GRAPHS):
        cols.append(params['gat'][i][NUM_LAYERS]['W'])
    for i in range(N_GRAPHS):
        cols.append(params['gat'][i][NUM_LAYERS]['res_W'])
    for i in range(N_GRAPHS):
        pg = params['gat'][i][NUM_LAYERS]
        cols.append(jnp.stack([pg['W'] @ pg['attn_l'][0],
                               pg['W'] @ pg['attn_r'][0]], axis=1))
    A = jnp.concatenate(cols, axis=1).T
    big = _mm_bias(A, hT, jnp.zeros((A.shape[0], 1), jnp.float32))
    src_both = jnp.concatenate([graphs[0][0], graphs[1][0]])
    dst_both = jnp.concatenate([graphs[0][1], graphs[1][1]])
    elr_both = big[4 * Df:4 * Df + 4].reshape(-1)
    au_both, dp = _sc_alpha_final(elr_both, src_both, dst_both)
    acc = _sc_aggregate_final(big[0:2 * Df].reshape(-1), au_both,
                              src_both, dst_both)
    wv = jnp.stack([w[type_of, NUM_LAYERS, i] for i in range(N_GRAPHS)])
    b0 = params['gat'][0][NUM_LAYERS]['bias'][:, None]
    b1 = params['gat'][1][NUM_LAYERS]['bias'][:, None]
    res0 = big[2 * Df:3 * Df]
    res1 = big[3 * Df:4 * Df]
    logitsT = _combine_final(acc.reshape(2 * Df, N_NODES),
                             dp.reshape(NW, N_NODES), b0, b1,
                             res0, res1, wv)
    return logitsT.T

# --- scband reference (transcript-rebuilt; emitter-appended) ---
"""Pipeline reference for scband-rgat-5351529251343 (READ-ONLY COPY).

The authoritative reference and input builder live on the scoring server;
editing this copy changes nothing except your own understanding.
"""

import jax, jax.numpy as jnp
import numpy as np

N_NODES = 10000
NUMS = [5000, 3000, 2000]
SPLITS = list(np.cumsum(NUMS)[:-1])
NUM_HIDDEN = 64
NUM_CLASSES = 16
NUM_LAYERS = 2
HEADS = [2, 2, 1]
N_GRAPHS = 2
N_TYPES = 3
E = 160000
NEG_SLOPE = 0.2


def setup_inputs(seed: int = 0) -> dict:
    key = jax.random.key(seed)
    ks = jax.random.split(key, 64)
    it = iter(range(64))
    feat0 = jax.random.normal(ks[next(it)], (NUMS[0], 128), jnp.float32)
    feat1 = jax.random.normal(ks[next(it)], (NUMS[1], 128), jnp.float32)
    feat2 = jax.random.normal(ks[next(it)], (NUMS[2], 128), jnp.float32)
    eg0 = jax.random.randint(ks[next(it)], (2, E), 0, N_NODES)
    eg1 = jax.random.randint(ks[next(it)], (2, E), 0, N_NODES)
    params = {}
    params['fc'] = []
    for _ in range(N_TYPES):
        params['fc'].append({
            'W': 0.1 * jax.random.normal(ks[next(it)], (128, NUM_HIDDEN), jnp.float32),
            'b': jnp.zeros((NUM_HIDDEN,), jnp.float32),
        })
    # torch init is zeros; use small noise so softmax mixing weights are non-degenerate for grads
    params['rel_weights'] = 0.1 * jax.random.normal(ks[next(it)], (N_TYPES, NUM_LAYERS + 1, N_GRAPHS), jnp.float32)
    layer_dims = [
        (NUM_HIDDEN, NUM_HIDDEN, HEADS[0], False),
        (NUM_HIDDEN * HEADS[0], NUM_HIDDEN, HEADS[1], True),
        (NUM_HIDDEN * HEADS[1], NUM_CLASSES, HEADS[2], True),
    ]
    params['gat'] = []
    for i in range(N_GRAPHS):
        layers = []
        for (din, dout, h, residual) in layer_dims:
            p = {
                'W': 0.1 * jax.random.normal(ks[next(it)], (din, h * dout), jnp.float32),
                'attn_l': 0.1 * jax.random.normal(ks[next(it)], (h, dout), jnp.float32),
                'attn_r': 0.1 * jax.random.normal(ks[next(it)], (h, dout), jnp.float32),
                'bias': jnp.zeros((h * dout,), jnp.float32),
            }
            if residual and din != h * dout:
                p['res_W'] = 0.1 * jax.random.normal(ks[next(it)], (din, h * dout), jnp.float32)
            layers.append(p)
        params['gat'].append(layers)
    return {'feat0': feat0, 'feat1': feat1, 'feat2': feat2,
            'edge_index_g0': eg0, 'edge_index_g1': eg1, 'params': params}


def _gat_conv(h, src, dst, p, heads, out_feats, residual, activate):
    N = h.shape[0]
    feat = (h @ p['W']).reshape(N, heads, out_feats)
    el = jnp.sum(feat * p['attn_l'][None], axis=-1)  # [N, H]
    er = jnp.sum(feat * p['attn_r'][None], axis=-1)
    e = jax.nn.leaky_relu(el[src] + er[dst], NEG_SLOPE)  # [E, H]
    emax = jax.ops.segment_max(e, dst, num_segments=N)
    emax = jnp.where(jnp.isfinite(emax), emax, 0.0)
    alpha = jnp.exp(e - emax[dst])
    denom = jax.ops.segment_sum(alpha, dst, num_segments=N)
    alpha = alpha / (denom[dst] + 1e-16)
    out = jax.ops.segment_sum(feat[src] * alpha[:, :, None], dst, num_segments=N)
    out = out + p['bias'].reshape(1, heads, out_feats)
    if residual:
        if 'res_W' in p:
            out = out + (h @ p['res_W']).reshape(N, heads, out_feats)
        else:
            out = out + h.reshape(N, heads, out_feats)
    if activate:
        out = jax.nn.elu(out)
    return out


def _forward(feat0, feat1, feat2, edge_index_g0, edge_index_g1, params):
    graphs = [edge_index_g0, edge_index_g1]
    w = jax.nn.softmax(params['rel_weights'], axis=2)  # [n_types, n_layers+1, n_graphs]
    feats = [feat0, feat1, feat2]
    hs = [feats[i] @ params['fc'][i]['W'] + params['fc'][i]['b'] for i in range(N_TYPES)]
    h = jnp.concatenate(hs, axis=0)  # [N, num_hidden]
    for l in range(NUM_LAYERS):
        outs = []
        for i in range(N_GRAPHS):
            src, dst = graphs[i][0], graphs[i][1]
            o = _gat_conv(h, src, dst, params['gat'][i][l], HEADS[l], NUM_HIDDEN,
                          residual=(l > 0), activate=True)
            o = o.reshape(N_NODES, -1)
            outs.append(jnp.split(o, SPLITS, axis=0))
        hk = []
        for k in range(N_TYPES):
            hk.append(sum(outs[i][k] * w[k, l, i] for i in range(N_GRAPHS)))
        h = jnp.concatenate(hk, axis=0)
    outs = []
    for i in range(N_GRAPHS):
        src, dst = graphs[i][0], graphs[i][1]
        o = _gat_conv(h, src, dst, params['gat'][i][NUM_LAYERS], HEADS[-1], NUM_CLASSES,
                      residual=True, activate=False)
        o = o.mean(axis=1)
        outs.append(jnp.split(o, SPLITS, axis=0))
    logits = jnp.concatenate(
        [sum(outs[i][k] * w[k, -1, i] for i in range(N_GRAPHS)) for k in range(N_TYPES)], axis=0)
    return logits


def reference(feat0, feat1, feat2, edge_index_g0, edge_index_g1, params):
    return _forward(feat0, feat1, feat2, edge_index_g0, edge_index_g1, params)

if __name__ == "__main__":
    import jax
    _d = setup_inputs()
    print(jax.jit(kernel)(*tuple(_d.values())))

</pallas_src>

<mosaic_0001>
#map = affine_map<(d0, d1) -> (0)>
module attributes {stable_mosaic.version = 14 : i64} {
  func.func @k(%arg0: i32, %arg1: i32, %arg2: memref<40000xf32, #tpu.memory_space<hbm>>, %arg3: memref<160000xi32, #tpu.memory_space<hbm>>, %arg4: memref<160000xi32, #tpu.memory_space<hbm>>, %arg5: memref<320000xf32, #tpu.memory_space<hbm>>, %arg6: memref<640000xf32, #tpu.memory_space<hbm>>, %arg7: memref<10000xf32, #tpu.memory_space<vmem>>, %arg8: memref<10000xf32, #tpu.memory_space<vmem>>, %arg9: memref<10000xf32, #tpu.memory_space<vmem>>, %arg10: memref<10000xf32, #tpu.memory_space<vmem>>, %arg11: memref<10000xf32, #tpu.memory_space<vmem>>, %arg12: memref<10000xf32, #tpu.memory_space<vmem>>, %arg13: memref<5008xi32, #tpu.memory_space<vmem>>, %arg14: memref<5008xi32, #tpu.memory_space<vmem>>, %arg15: memref<5008xf32, #tpu.memory_space<vmem>>, %arg16: memref<5008xf32, #tpu.memory_space<vmem>>, %arg17: memref<!tpu.dma_semaphore, #tpu.memory_space<semaphore_mem>>) attributes {dimension_semantics = [#tpu.dimension_semantics<core_parallel>, #tpu.dimension_semantics<subcore_parallel>], iteration_bounds = array<i64: 2, 16>, scalar_prefetch = 0 : i64, scratch_operands = 11 : i64, tpu.core_type = #tpu.core_type<sc_vector_subcore>, window_params = [{transform_indices = #map}, {transform_indices = #map}, {transform_indices = #map}, {transform_indices = #map}, {transform_indices = #map}]} {
    %mul3A = arith.constant 16 : i32
    %mul3A_0 = arith.muli %arg0, %mul3A : i32
    %add3A = arith.addi %mul3A_0, %arg1 : i32
    %mul3A_1 = arith.constant 5000 : i32
    %mul3A_2 = arith.muli %add3A, %mul3A_1 : i32
    %dma_start3A = arith.constant 0 : i32
    %dma_start3A_3 = tpu.memref_slice %arg2[%dma_start3A] : memref<40000xf32, #tpu.memory_space<hbm>> -> memref<10000xf32, #tpu.memory_space<hbm>>
    %dma_start3A_4 = arith.constant 0 : i32
    %dma_start3A_5 = tpu.memref_slice %arg2[%dma_start3A_4] : memref<40000xf32, #tpu.memory_space<hbm>> -> memref<10000xf32, #tpu.memory_space<hbm>>
    tpu.enqueue_dma source(%dma_start3A_5 : memref<10000xf32, #tpu.memory_space<hbm>>) target(%arg7 : memref<10000xf32, #tpu.memory_space<vmem>>) target_semaphore(%arg17 : memref<!tpu.dma_semaphore, #tpu.memory_space<semaphore_mem>>)
    %dma_start3A_6 = arith.constant 20000 : i32
    %dma_start3A_7 = tpu.memref_slice %arg2[%dma_start3A_6] : memref<40000xf32, #tpu.memory_space<hbm>> -> memref<10000xf32, #tpu.memory_space<hbm>>
    %dma_start3A_8 = arith.constant 20000 : i32
    %dma_start3A_9 = tpu.memref_slice %arg2[%dma_start3A_8] : memref<40000xf32, #tpu.memory_space<hbm>> -> memref<10000xf32, #tpu.memory_space<hbm>>
    tpu.enqueue_dma source(%dma_start3A_9 : memref<10000xf32, #tpu.memory_space<hbm>>) target(%arg9 : memref<10000xf32, #tpu.memory_space<vmem>>) target_semaphore(%arg17 : memref<!tpu.dma_semaphore, #tpu.memory_space<semaphore_mem>>)
    %dma_start3A_10 = arith.constant 10000 : i32
    %dma_start3A_11 = tpu.memref_slice %arg2[%dma_start3A_10] : memref<40000xf32, #tpu.memory_space<hbm>> -> memref<10000xf32, #tpu.memory_space<hbm>>
    %dma_start3A_12 = arith.constant 10000 : i32
    %dma_start3A_13 = tpu.memref_slice %arg2[%dma_start3A_12] : memref<40000xf32, #tpu.memory_space<hbm>> -> memref<10000xf32, #tpu.memory_space<hbm>>
    tpu.enqueue_dma source(%dma_start3A_13 : memref<10000xf32, #tpu.memory_space<hbm>>) target(%arg8 : memref<10000xf32, #tpu.memory_space<vmem>>) target_semaphore(%arg17 : memref<!tpu.dma_semaphore, #tpu.memory_space<semaphore_mem>>)
    %dma_start3A_14 = arith.constant 30000 : i32
    %dma_start3A_15 = tpu.memref_slice %arg2[%dma_start3A_14] : memref<40000xf32, #tpu.memory_space<hbm>> -> memref<10000xf32, #tpu.memory_space<hbm>>
    %dma_start3A_16 = arith.constant 30000 : i32
    %dma_start3A_17 = tpu.memref_slice %arg2[%dma_start3A_16] : memref<40000xf32, #tpu.memory_space<hbm>> -> memref<10000xf32, #tpu.memory_space<hbm>>
    tpu.enqueue_dma source(%dma_start3A_17 : memref<10000xf32, #tpu.memory_space<hbm>>) target(%arg10 : memref<10000xf32, #tpu.memory_space<vmem>>) target_semaphore(%arg17 : memref<!tpu.dma_semaphore, #tpu.memory_space<semaphore_mem>>)
    %dma_start3A_18 = arith.constant 0 : i32
    %dma_start3A_19 = tpu.memref_slice %arg13[%dma_start3A_18] : memref<5008xi32, #tpu.memory_space<vmem>> -> memref<5000xi32, #tpu.memory_space<vmem>>
    %dma_start3A_20 = tpu.memref_slice %arg3[%mul3A_2] : memref<160000xi32, #tpu.memory_space<hbm>> -> memref<5000xi32, #tpu.memory_space<hbm>>
    %dma_start3A_21 = arith.constant 0 : i32
    %dma_start3A_22 = tpu.memref_slice %arg13[%dma_start3A_21] : memref<5008xi32, #tpu.memory_space<vmem>> -> memref<5000xi32, #tpu.memory_space<vmem>>
    %dma_start3A_23 = tpu.memref_slice %arg3[%mul3A_2] : memref<160000xi32, #tpu.memory_space<hbm>> -> memref<5000xi32, #tpu.memory_space<hbm>>
    tpu.enqueue_dma source(%dma_start3A_23 : memref<5000xi32, #tpu.memory_space<hbm>>) target(%dma_start3A_22 : memref<5000xi32, #tpu.memory_space<vmem>>) target_semaphore(%arg17 : memref<!tpu.dma_semaphore, #tpu.memory_space<semaphore_mem>>)
    %dma_start3A_24 = arith.constant 0 : i32
    %dma_start3A_25 = tpu.memref_slice %arg14[%dma_start3A_24] : memref<5008xi32, #tpu.memory_space<vmem>> -> memref<5000xi32, #tpu.memory_space<vmem>>
    %dma_start3A_26 = tpu.memref_slice %arg4[%mul3A_2] : memref<160000xi32, #tpu.memory_space<hbm>> -> memref<5000xi32, #tpu.memory_space<hbm>>
    %dma_start3A_27 = arith.constant 0 : i32
    %dma_start3A_28 = tpu.memref_slice %arg14[%dma_start3A_27] : memref<5008xi32, #tpu.memory_space<vmem>> -> memref<5000xi32, #tpu.memory_space<vmem>>
    %dma_start3A_29 = tpu.memref_slice %arg4[%mul3A_2] : memref<160000xi32, #tpu.memory_space<hbm>> -> memref<5000xi32, #tpu.memory_space<hbm>>
    tpu.enqueue_dma source(%dma_start3A_29 : memref<5000xi32, #tpu.memory_space<hbm>>) target(%dma_start3A_28 : memref<5000xi32, #tpu.memory_space<vmem>>) target_semaphore(%arg17 : memref<!tpu.dma_semaphore, #tpu.memory_space<semaphore_mem>>)
    %scan3A = arith.constant 0 : i32
    %scan3A_30 = arith.constant 0 : i32
    %scan3A_31 = arith.constant 625 : i32
    %scan3A_32 = arith.addi %scan3A_30, %scan3A_31 : i32
    %scan3A_33 = arith.constant 1 : i32
    %scan3A_34 = scf.for %scan3A_94 = %scan3A_30 to %scan3A_32 step %scan3A_33 iter_args(%scan3A_95 = %scan3A) -> (i32)  : i32 {
      %broadcast_in_dim3A_96 = arith.constant 0.000000e+00 : f32
      %broadcast_in_dim3A_97 = vector.broadcast %broadcast_in_dim3A_96 : f32 to vector<16xf32>
      %mul3A_98 = arith.constant 16 : i32
      %mul3A_99 = arith.muli %scan3A_94, %mul3A_98 : i32
      %swap3A_100 = arith.index_cast %mul3A_99 : i32 to index
      %swap3A_101 = tpu.vector_load %arg11[%swap3A_100] {strides = array<i32>} : memref<10000xf32, #tpu.memory_space<vmem>>, vector<16xf32>,
      tpu.vector_store %arg11[%swap3A_100], %broadcast_in_dim3A_97 {strides = array<i32>} : memref<10000xf32, #tpu.memory_space<vmem>>, vector<16xf32>,
      %broadcast_in_dim3A_102 = arith.constant 0.000000e+00 : f32
      %broadcast_in_dim3A_103 = vector.broadcast %broadcast_in_dim3A_102 : f32 to vector<16xf32>
      %mul3A_104 = arith.constant 16 : i32
      %mul3A_105 = arith.muli %scan3A_94, %mul3A_104 : i32
      %swap3A_106 = arith.index_cast %mul3A_105 : i32 to index
      %swap3A_107 = tpu.vector_load %arg12[%swap3A_106] {strides = array<i32>} : memref<10000xf32, #tpu.memory_space<vmem>>, vector<16xf32>,
      tpu.vector_store %arg12[%swap3A_106], %broadcast_in_dim3A_103 {strides = array<i32>} : memref<10000xf32, #tpu.memory_space<vmem>>, vector<16xf32>,
      %scan3A_108 = arith.constant 0 : i32
      scf.yield %scan3A_108 : i32
    }
    %scan3A_35 = arith.constant 625 : i32
    %dma_wait3A = arith.constant 0 : i32
    %dma_wait3A_36 = tpu.memref_slice %arg2[%dma_wait3A] : memref<40000xf32, #tpu.memory_space<hbm>> -> memref<10000xf32, #tpu.memory_space<hbm>>
    %dma_wait3A_37 = arith.constant 0 : i32
    %dma_wait3A_38 = tpu.memref_slice %arg2[%dma_wait3A_37] : memref<40000xf32, #tpu.memory_space<hbm>> -> memref<10000xf32, #tpu.memory_space<hbm>>
    tpu.wait_dma2 semaphore(%arg17 : memref<!tpu.dma_semaphore, #tpu.memory_space<semaphore_mem>>) src(%dma_wait3A_38 : memref<10000xf32, #tpu.memory_space<hbm>>) dst(%arg7 : memref<10000xf32, #tpu.memory_space<vmem>>)
    %dma_wait3A_39 = arith.constant 20000 : i32
    %dma_wait3A_40 = tpu.memref_slice %arg2[%dma_wait3A_39] : memref<40000xf32, #tpu.memory_space<hbm>> -> memref<10000xf32, #tpu.memory_space<hbm>>
    %dma_wait3A_41 = arith.constant 20000 : i32
    %dma_wait3A_42 = tpu.memref_slice %arg2[%dma_wait3A_41] : memref<40000xf32, #tpu.memory_space<hbm>> -> memref<10000xf32, #tpu.memory_space<hbm>>
    tpu.wait_dma2 semaphore(%arg17 : memref<!tpu.dma_semaphore, #tpu.memory_space<semaphore_mem>>) src(%dma_wait3A_42 : memref<10000xf32, #tpu.memory_space<hbm>>) dst(%arg9 : memref<10000xf32, #tpu.memory_space<vmem>>)
    %dma_wait3A_43 = arith.constant 10000 : i32
    %dma_wait3A_44 = tpu.memref_slice %arg2[%dma_wait3A_43] : memref<40000xf32, #tpu.memory_space<hbm>> -> memref<10000xf32, #tpu.memory_space<hbm>>
    %dma_wait3A_45 = arith.constant 10000 : i32
    %dma_wait3A_46 = tpu.memref_slice %arg2[%dma_wait3A_45] : memref<40000xf32, #tpu.memory_space<hbm>> -> memref<10000xf32, #tpu.memory_space<hbm>>
    tpu.wait_dma2 semaphore(%arg17 : memref<!tpu.dma_semaphore, #tpu.memory_space<semaphore_mem>>) src(%dma_wait3A_46 : memref<10000xf32, #tpu.memory_space<hbm>>) dst(%arg8 : memref<10000xf32, #tpu.memory_space<vmem>>)
    %dma_wait3A_47 = arith.constant 30000 : i32
    %dma_wait3A_48 = tpu.memref_slice %arg2[%dma_wait3A_47] : memref<40000xf32, #tpu.memory_space<hbm>> -> memref<10000xf32, #tpu.memory_space<hbm>>
    %dma_wait3A_49 = arith.constant 30000 : i32
    %dma_wait3A_50 = tpu.memref_slice %arg2[%dma_wait3A_49] : memref<40000xf32, #tpu.memory_space<hbm>> -> memref<10000xf32, #tpu.memory_space<hbm>>
    tpu.wait_dma2 semaphore(%arg17 : memref<!tpu.dma_semaphore, #tpu.memory_space<semaphore_mem>>) src(%dma_wait3A_50 : memref<10000xf32, #tpu.memory_space<hbm>>) dst(%arg10 : memref<10000xf32, #tpu.memory_space<vmem>>)
    %dma_wait3A_51 = arith.constant 0 : i32
    %dma_wait3A_52 = tpu.memref_slice %arg13[%dma_wait3A_51] : memref<5008xi32, #tpu.memory_space<vmem>> -> memref<5000xi32, #tpu.memory_space<vmem>>
    %dma_wait3A_53 = tpu.memref_slice %arg3[%mul3A_2] : memref<160000xi32, #tpu.memory_space<hbm>> -> memref<5000xi32, #tpu.memory_space<hbm>>
    %dma_wait3A_54 = arith.constant 0 : i32
    %dma_wait3A_55 = tpu.memref_slice %arg13[%dma_wait3A_54] : memref<5008xi32, #tpu.memory_space<vmem>> -> memref<5000xi32, #tpu.memory_space<vmem>>
    %dma_wait3A_56 = tpu.memref_slice %arg3[%mul3A_2] : memref<160000xi32, #tpu.memory_space<hbm>> -> memref<5000xi32, #tpu.memory_space<hbm>>
    tpu.wait_dma2 semaphore(%arg17 : memref<!tpu.dma_semaphore, #tpu.memory_space<semaphore_mem>>) src(%dma_wait3A_56 : memref<5000xi32, #tpu.memory_space<hbm>>) dst(%dma_wait3A_55 : memref<5000xi32, #tpu.memory_space<vmem>>)
    %dma_wait3A_57 = arith.constant 0 : i32
    %dma_wait3A_58 = tpu.memref_slice %arg14[%dma_wait3A_57] : memref<5008xi32, #tpu.memory_space<vmem>> -> memref<5000xi32, #tpu.memory_space<vmem>>
    %dma_wait3A_59 = tpu.memref_slice %arg4[%mul3A_2] : memref<160000xi32, #tpu.memory_space<hbm>> -> memref<5000xi32, #tpu.memory_space<hbm>>
    %dma_wait3A_60 = arith.constant 0 : i32
    %dma_wait3A_61 = tpu.memref_slice %arg14[%dma_wait3A_60] : memref<5008xi32, #tpu.memory_space<vmem>> -> memref<5000xi32, #tpu.memory_space<vmem>>
    %dma_wait3A_62 = tpu.memref_slice %arg4[%mul3A_2] : memref<160000xi32, #tpu.memory_space<hbm>> -> memref<5000xi32, #tpu.memory_space<hbm>>
    tpu.wait_dma2 semaphore(%arg17 : memref<!tpu.dma_semaphore, #tpu.memory_space<semaphore_mem>>) src(%dma_wait3A_62 : memref<5000xi32, #tpu.memory_space<hbm>>) dst(%dma_wait3A_61 : memref<5000xi32, #tpu.memory_space<vmem>>)
    %iota3A = tpu.iota {dimensions = array<i32: 0>} : vector<16xi32>
    %lt3A = arith.constant 8 : i32
    %lt3A_63 = vector.broadcast %lt3A : i32 to vector<16xi32>
    %lt3A_64 = arith.cmpi slt, %iota3A, %lt3A_63 : vector<16xi32>
    %get3A = arith.constant 4992 : index
    %get3A_65 = tpu.vector_load %arg13[%get3A] {strides = array<i32>} : memref<5008xi32, #tpu.memory_space<vmem>>, vector<16xi32>,
    %jit3A = arith.constant 0 : i32
    %broadcast_in_dim3A = vector.broadcast %jit3A : i32 to vector<16xi32>
    %select_n3A = arith.select %lt3A_64, %get3A_65, %broadcast_in_dim3A : vector<16xi1>, vector<16xi32>
    %swap3A = arith.constant 4992 : index
    %swap3A_66 = tpu.vector_load %arg13[%swap3A] {strides = array<i32>} : memref<5008xi32, #tpu.memory_space<vmem>>, vector<16xi32>,
    tpu.vector_store %arg13[%swap3A], %select_n3A {strides = array<i32>} : memref<5008xi32, #tpu.memory_space<vmem>>, vector<16xi32>,
    %get3A_67 = arith.constant 4992 : index
    %get3A_68 = tpu.vector_load %arg14[%get3A_67] {strides = array<i32>} : memref<5008xi32, #tpu.memory_space<vmem>>, vector<16xi32>,
    %jit3A_69 = arith.constant 0 : i32
    %broadcast_in_dim3A_70 = vector.broadcast %jit3A_69 : i32 to vector<16xi32>
    %select_n3A_71 = arith.select %lt3A_64, %get3A_68, %broadcast_in_dim3A_70 : vector<16xi1>, vector<16xi32>
    %swap3A_72 = arith.constant 4992 : index
    %swap3A_73 = tpu.vector_load %arg14[%swap3A_72] {strides = array<i32>} : memref<5008xi32, #tpu.memory_space<vmem>>, vector<16xi32>,
    tpu.vector_store %arg14[%swap3A_72], %select_n3A_71 {strides = array<i32>} : memref<5008xi32, #tpu.memory_space<vmem>>, vector<16xi32>,
    %iota3A_74 = tpu.iota {dimensions = array<i32: 0>} : vector<16xi32>
    %scan3A_75 = arith.constant 0 : i32
    %scan3A_76 = arith.constant 0 : i32
    %scan3A_77 = arith.constant 313 : i32
    %scan3A_78 = arith.addi %scan3A_76, %scan3A_77 : i32
    %scan3A_79 = arith.constant 1 : i32
    %scan3A_80 = scf.for %scan3A_94 = %scan3A_76 to %scan3A_78 step %scan3A_79 iter_args(%scan3A_95 = %scan3A_75) -> (i32)  : i32 {
      %mul3A_96 = arith.constant 16 : i32
      %mul3A_97 = arith.muli %scan3A_94, %mul3A_96 : i32
      %get3A_98 = arith.index_cast %mul3A_97 : i32 to index
      %get3A_99 = tpu.vector_load %arg13[%get3A_98] {strides = array<i32>} : memref<5008xi32, #tpu.memory_space<vmem>>, vector<16xi32>,
      %get3A_100 = arith.index_cast %mul3A_97 : i32 to index
      %get3A_101 = tpu.vector_load %arg14[%get3A_100] {strides = array<i32>} : memref<5008xi32, #tpu.memory_space<vmem>>, vector<16xi32>,
      %add3A_102 = vector.broadcast %mul3A_97 : i32 to vector<16xi32>
      %add3A_103 = arith.addi %add3A_102, %iota3A_74 : vector<16xi32>
      %lt3A_104 = arith.constant 5000 : i32
      %lt3A_105 = vector.broadcast %lt3A_104 : i32 to vector<16xi32>
      %lt3A_106 = arith.cmpi slt, %add3A_103, %lt3A_105 : vector<16xi32>
      %gather3A = tpu.vector_load_idx %arg7[%get3A_99] : memref<10000xf32, #tpu.memory_space<vmem>>[vector<16xi32>], vector<16xf32>,
      %gather3A_107 = tpu.vector_load_idx %arg9[%get3A_101] : memref<10000xf32, #tpu.memory_space<vmem>>[vector<16xi32>], vector<16xf32>,
      %add3A_108 = arith.addf %gather3A, %gather3A_107 : vector<16xf32>
      %gt3A = arith.constant 0.000000e+00 : f32
      %gt3A_109 = vector.broadcast %gt3A : f32 to vector<16xf32>
      %gt3A_110 = arith.cmpf ogt, %add3A_108, %gt3A_109 : vector<16xf32>
      %mul3A_111 = arith.constant 2.000000e-01 : f32
      %mul3A_112 = vector.broadcast %mul3A_111 : f32 to vector<16xf32>
      %mul3A_113 = arith.mulf %mul3A_112, %add3A_108 : vector<16xf32>
      %select_n3A_114 = arith.select %gt3A_110, %add3A_108, %mul3A_113 : vector<16xi1>, vector<16xf32>
      %exp3A = math.exp %select_n3A_114 : vector<16xf32>
      %swap3A_115 = arith.index_cast %mul3A_97 : i32 to index
      %swap3A_116 = tpu.vector_load %arg15[%swap3A_115] {strides = array<i32>} : memref<5008xf32, #tpu.memory_space<vmem>>, vector<16xf32>,
      tpu.vector_store %arg15[%swap3A_115], %exp3A {strides = array<i32>} : memref<5008xf32, #tpu.memory_space<vmem>>, vector<16xf32>,
      tpu.vector_store_idx %arg11[%get3A_101], %exp3A masked %lt3A_106 {add = true} : memref<10000xf32, #tpu.memory_space<vmem>>[vector<16xi32>], vector<16xf32>, vector<16xi1>
      %gather3A_117 = tpu.vector_load_idx %arg8[%get3A_99] : memref<10000xf32, #tpu.memory_space<vmem>>[vector<16xi32>], vector<16xf32>,
      %gather3A_118 = tpu.vector_load_idx %arg10[%get3A_101] : memref<10000xf32, #tpu.memory_space<vmem>>[vector<16xi32>], vector<16xf32>,
      %add3A_119 = arith.addf %gather3A_117, %gather3A_118 : vector<16xf32>
      %gt3A_120 = arith.constant 0.000000e+00 : f32
      %gt3A_121 = vector.broadcast %gt3A_120 : f32 to vector<16xf32>
      %gt3A_122 = arith.cmpf ogt, %add3A_119, %gt3A_121 : vector<16xf32>
      %mul3A_123 = arith.constant 2.000000e-01 : f32
      %mul3A_124 = vector.broadcast %mul3A_123 : f32 to vector<16xf32>
      %mul3A_125 = arith.mulf %mul3A_124, %add3A_119 : vector<16xf32>
      %select_n3A_126 = arith.select %gt3A_122, %add3A_119, %mul3A_125 : vector<16xi1>, vector<16xf32>
      %exp3A_127 = math.exp %select_n3A_126 : vector<16xf32>
      %swap3A_128 = arith.index_cast %mul3A_97 : i32 to index
      %swap3A_129 = tpu.vector_load %arg16[%swap3A_128] {strides = array<i32>} : memref<5008xf32, #tpu.memory_space<vmem>>, vector<16xf32>,
      tpu.vector_store %arg16[%swap3A_128], %exp3A_127 {strides = array<i32>} : memref<5008xf32, #tpu.memory_space<vmem>>, vector<16xf32>,
      tpu.vector_store_idx %arg12[%get3A_101], %exp3A_127 masked %lt3A_106 {add = true} : memref<10000xf32, #tpu.memory_space<vmem>>[vector<16xi32>], vector<16xf32>, vector<16xi1>
      %scan3A_130 = arith.constant 0 : i32
      scf.yield %scan3A_130 : i32
    }
    %scan3A_81 = arith.constant 313 : i32
    %add3A_82 = arith.constant 0 : i32
    %add3A_83 = arith.addi %add3A_82, %mul3A_2 : i32
    "tpu.region"() ({
      %run_scoped3A = tpu.sem_alloc : memref<!tpu.dma_semaphore, #tpu.memory_space<semaphore_mem>>
      %dma_start3A_94 = arith.constant 0 : i32
      %dma_start3A_95 = tpu.memref_slice %arg15[%dma_start3A_94] : memref<5008xf32, #tpu.memory_space<vmem>> -> memref<5000xf32, #tpu.memory_space<vmem>>
      %dma_start3A_96 = tpu.memref_slice %arg5[%add3A_83] : memref<320000xf32, #tpu.memory_space<hbm>> -> memref<5000xf32, #tpu.memory_space<hbm>>
      %dma_start3A_97 = tpu.memref_slice %arg5[%add3A_83] : memref<320000xf32, #tpu.memory_space<hbm>> -> memref<5000xf32, #tpu.memory_space<hbm>>
      %dma_start3A_98 = arith.constant 0 : i32
      %dma_start3A_99 = tpu.memref_slice %arg15[%dma_start3A_98] : memref<5008xf32, #tpu.memory_space<vmem>> -> memref<5000xf32, #tpu.memory_space<vmem>>
      tpu.enqueue_dma source(%dma_start3A_99 : memref<5000xf32, #tpu.memory_space<vmem>>) target(%dma_start3A_97 : memref<5000xf32, #tpu.memory_space<hbm>>) target_semaphore(%run_scoped3A : memref<!tpu.dma_semaphore, #tpu.memory_space<semaphore_mem>>)
      %dma_wait3A_100 = arith.constant 0 : i32
      %dma_wait3A_101 = tpu.memref_slice %arg15[%dma_wait3A_100] : memref<5008xf32, #tpu.memory_space<vmem>> -> memref<5000xf32, #tpu.memory_space<vmem>>
      %dma_wait3A_102 = tpu.memref_slice %arg5[%add3A_83] : memref<320000xf32, #tpu.memory_space<hbm>> -> memref<5000xf32, #tpu.memory_space<hbm>>
      %dma_wait3A_103 = tpu.memref_slice %arg5[%add3A_83] : memref<320000xf32, #tpu.memory_space<hbm>> -> memref<5000xf32, #tpu.memory_space<hbm>>
      %dma_wait3A_104 = arith.constant 0 : i32
      %dma_wait3A_105 = tpu.memref_slice %arg15[%dma_wait3A_104] : memref<5008xf32, #tpu.memory_space<vmem>> -> memref<5000xf32, #tpu.memory_space<vmem>>
      tpu.wait_dma2 semaphore(%run_scoped3A : memref<!tpu.dma_semaphore, #tpu.memory_space<semaphore_mem>>) src(%dma_wait3A_105 : memref<5000xf32, #tpu.memory_space<vmem>>) dst(%dma_wait3A_103 : memref<5000xf32, #tpu.memory_space<hbm>>)
      tpu.yield
    }) : () -> ()
    %add3A_84 = arith.constant 0 : i32
    %add3A_85 = arith.addi %add3A_84, %add3A : i32
    %mul3A_86 = arith.constant 10000 : i32
    %mul3A_87 = arith.muli %add3A_85, %mul3A_86 : i32
    "tpu.region"() ({
      %run_scoped3A = tpu.sem_alloc : memref<!tpu.dma_semaphore, #tpu.memory_space<semaphore_mem>>
      %dma_start3A_94 = tpu.memref_slice %arg6[%mul3A_87] : memref<640000xf32, #tpu.memory_space<hbm>> -> memref<10000xf32, #tpu.memory_space<hbm>>
      %dma_start3A_95 = tpu.memref_slice %arg6[%mul3A_87] : memref<640000xf32, #tpu.memory_space<hbm>> -> memref<10000xf32, #tpu.memory_space<hbm>>
      tpu.enqueue_dma source(%arg11 : memref<10000xf32, #tpu.memory_space<vmem>>) target(%dma_start3A_95 : memref<10000xf32, #tpu.memory_space<hbm>>) target_semaphore(%run_scoped3A : memref<!tpu.dma_semaphore, #tpu.memory_space<semaphore_mem>>)
      %dma_wait3A_96 = tpu.memref_slice %arg6[%mul3A_87] : memref<640000xf32, #tpu.memory_space<hbm>> -> memref<10000xf32, #tpu.memory_space<hbm>>
      %dma_wait3A_97 = tpu.memref_slice %arg6[%mul3A_87] : memref<640000xf32, #tpu.memory_space<hbm>> -> memref<10000xf32, #tpu.memory_space<hbm>>
      tpu.wait_dma2 semaphore(%run_scoped3A : memref<!tpu.dma_semaphore, #tpu.memory_space<semaphore_mem>>) src(%arg11 : memref<10000xf32, #tpu.memory_space<vmem>>) dst(%dma_wait3A_97 : memref<10000xf32, #tpu.memory_space<hbm>>)
      tpu.yield
    }) : () -> ()
    %add3A_88 = arith.constant 160000 : i32
    %add3A_89 = arith.addi %add3A_88, %mul3A_2 : i32
    "tpu.region"() ({
      %run_scoped3A = tpu.sem_alloc : memref<!tpu.dma_semaphore, #tpu.memory_space<semaphore_mem>>
      %dma_start3A_94 = arith.constant 0 : i32
      %dma_start3A_95 = tpu.memref_slice %arg16[%dma_start3A_94] : memref<5008xf32, #tpu.memory_space<vmem>> -> memref<5000xf32, #tpu.memory_space<vmem>>
      %dma_start3A_96 = tpu.memref_slice %arg5[%add3A_89] : memref<320000xf32, #tpu.memory_space<hbm>> -> memref<5000xf32, #tpu.memory_space<hbm>>
      %dma_start3A_97 = tpu.memref_slice %arg5[%add3A_89] : memref<320000xf32, #tpu.memory_space<hbm>> -> memref<5000xf32, #tpu.memory_space<hbm>>
      %dma_start3A_98 = arith.constant 0 : i32
      %dma_start3A_99 = tpu.memref_slice %arg16[%dma_start3A_98] : memref<5008xf32, #tpu.memory_space<vmem>> -> memref<5000xf32, #tpu.memory_space<vmem>>
      tpu.enqueue_dma source(%dma_start3A_99 : memref<5000xf32, #tpu.memory_space<vmem>>) target(%dma_start3A_97 : memref<5000xf32, #tpu.memory_space<hbm>>) target_semaphore(%run_scoped3A : memref<!tpu.dma_semaphore, #tpu.memory_space<semaphore_mem>>)
      %dma_wait3A_100 = arith.constant 0 : i32
      %dma_wait3A_101 = tpu.memref_slice %arg16[%dma_wait3A_100] : memref<5008xf32, #tpu.memory_space<vmem>> -> memref<5000xf32, #tpu.memory_space<vmem>>
      %dma_wait3A_102 = tpu.memref_slice %arg5[%add3A_89] : memref<320000xf32, #tpu.memory_space<hbm>> -> memref<5000xf32, #tpu.memory_space<hbm>>
      %dma_wait3A_103 = tpu.memref_slice %arg5[%add3A_89] : memref<320000xf32, #tpu.memory_space<hbm>> -> memref<5000xf32, #tpu.memory_space<hbm>>
      %dma_wait3A_104 = arith.constant 0 : i32
      %dma_wait3A_105 = tpu.memref_slice %arg16[%dma_wait3A_104] : memref<5008xf32, #tpu.memory_space<vmem>> -> memref<5000xf32, #tpu.memory_space<vmem>>
      tpu.wait_dma2 semaphore(%run_scoped3A : memref<!tpu.dma_semaphore, #tpu.memory_space<semaphore_mem>>) src(%dma_wait3A_105 : memref<5000xf32, #tpu.memory_space<vmem>>) dst(%dma_wait3A_103 : memref<5000xf32, #tpu.memory_space<hbm>>)
      tpu.yield
    }) : () -> ()
    %add3A_90 = arith.constant 32 : i32
    %add3A_91 = arith.addi %add3A_90, %add3A : i32
    %mul3A_92 = arith.constant 10000 : i32
    %mul3A_93 = arith.muli %add3A_91, %mul3A_92 : i32
    "tpu.region"() ({
      %run_scoped3A = tpu.sem_alloc : memref<!tpu.dma_semaphore, #tpu.memory_space<semaphore_mem>>
      %dma_start3A_94 = tpu.memref_slice %arg6[%mul3A_93] : memref<640000xf32, #tpu.memory_space<hbm>> -> memref<10000xf32, #tpu.memory_space<hbm>>
      %dma_start3A_95 = tpu.memref_slice %arg6[%mul3A_93] : memref<640000xf32, #tpu.memory_space<hbm>> -> memref<10000xf32, #tpu.memory_space<hbm>>
      tpu.enqueue_dma source(%arg12 : memref<10000xf32, #tpu.memory_space<vmem>>) target(%dma_start3A_95 : memref<10000xf32, #tpu.memory_space<hbm>>) target_semaphore(%run_scoped3A : memref<!tpu.dma_semaphore, #tpu.memory_space<semaphore_mem>>)
      %dma_wait3A_96 = tpu.memref_slice %arg6[%mul3A_93] : memref<640000xf32, #tpu.memory_space<hbm>> -> memref<10000xf32, #tpu.memory_space<hbm>>
      %dma_wait3A_97 = tpu.memref_slice %arg6[%mul3A_93] : memref<640000xf32, #tpu.memory_space<hbm>> -> memref<10000xf32, #tpu.memory_space<hbm>>
      tpu.wait_dma2 semaphore(%run_scoped3A : memref<!tpu.dma_semaphore, #tpu.memory_space<semaphore_mem>>) src(%arg12 : memref<10000xf32, #tpu.memory_space<vmem>>) dst(%dma_wait3A_97 : memref<10000xf32, #tpu.memory_space<hbm>>)
      tpu.yield
    }) : () -> ()
    return
  }
}

</mosaic_0001>

<sc_bundles>
// kernel: _sc_alpha.3.cloned.1.call-start
scs
__scs_entry_jumppad:
0x0: {  	(pc) =	sbr.rel $0x88, $3  }
0x1: {  	(tag) =	ssettag $0x0;
	lr =	simm.s32 $0x1  }
0x2: {  	[smem:$0x3F9E] =	sst lr;
	_ =	strace $0xD0000000  }
0x3: {  	_ = 	snop  }
0x4: {  	_ = 	snop  }
0x5: {  	_ = 	snop  }
0x6: {  	_ = 	snop  }
0x7: {  	_ = 	snop  }
__scs_overlays_trampoline_lowered:
0x8: {  	[smem:$0x3FAD] =	sst s0  }
0x9: {  	[smem:$0x3FAE] =	sst s1  }
0xa: {  	[smem:$0x3FAF] =	sst s2  }
0xb: {  	[smem:$0x3FB0] =	sst s3  }
0xc: {  	[smem:$0x3FB1] =	sst s4  }
0xd: {  	[smem:$0x3FB2] =	sst s5  }
0xe: {  	[smem:$0x3FB3] =	sst s6  }
0xf: {  	[smem:$0x3FB4] =	sst s7  }
0x10: {  	[smem:$0x3FB5] =	sst s8  }
0x11: {  	[smem:$0x3FB6] =	sst s9;
	s0 =	simm.s32 @!p0 $0x0  }
0x12: {  	s1 =	sld [smem:$0x3F9C];
	s0 =	simm.s32 @p0 $0x1  }
0x13: {  	[smem:$0x3FB7] =	sst s0;
	s0 =	simm.s32 @!p1 $0x0  }
0x14: {  	s2 =	sld [smem:$0x3F9B];
	s0 =	simm.s32 @p1 $0x1  }
0x15: {  	[smem:$0x3FB8] =	sst s0;
	s0 =	simm.s32 @!p2 $0x0  }
0x16: {  	s3 =	sld [smem:$0x3FDB];
	s0 =	simm.s32 @p2 $0x1  }
0x17: {  	s4 =	simm.s32 $0x1BF5;
	[smem:$0x3FBA] =	sst s0  }
0x18: {  	s0 =	sld [smem:$0x3F9D];
	_ =	swait.ge [sflag:s4], $0x0  }
0x19: {  	s7 =	sld [smem:$0x3F9E]  }
0x1a: {  	s8 =	sadd.s32 $0xFFFFE003, lr  }
0x1b: {  	s9 =	sadd.s32 $0xFFFFFEF7, lr;
	s5 =	simm.s32 $0xFFFFFFFF;
	p2 =	slt.u32 s8, $0xFFFFF086  }
0x1c: {  	p1 =	slt.u32 s9, $0xF7A;
	s5 =	simm.s32 @!p2 $0x0  }
0x1d: {  	s5 =	simm.s32 @p1 $0x1;
	p0 =	seq.s32 s7, s2  }
0x1e: {  	s7 =	smul.u32 @!p0 $0xF7A, s2;
	p2 =	seq.s32 @!p0 s5, $0x0  }
0x1f: {  	s9 =	smul.u32 $0xF7A, s1;
	s8 =	simm.s32 @!p0 $0x1BF5;
	p2 =	por !p2, p0  }
0x20: {  	[sflag:s8] =	ssyncset.s32 @!p0 $0xFFFFF086;
	s6 =	sadd.s32 @!p0 s3, s7;
	s7 =	simm.s32 @!p0 $0x108  }
0x21: {  	s3 =	sadd.s32 s3, s9;
	s6 =	sadd.s32 @!p0 $0x88, s6;
	s7 =	simm.s32 @p2 $0x1082  }
0x22: {  	[simem:s7], [sflag:s8] =	dma.local @!p0 [hbm:s6], $0xF7A  }
0x23: {  	s9 =	sor.u32 $0xD0000000, s2;
	s6 =	simm.s32 $0x108;
	_ =	swait.ge @!p0 [sflag:s8], $0x0  }
0x24: {  	s3 =	sadd.s32 $0x88, s3;
	s6 =	simm.s32 @!p1 $0x1082;
	[sflag:s4] =	ssyncset.s32 $0xFFFFF086  }
0x25: {  	[simem:s6], [sflag:s4] =	dma.local [hbm:s3], $0xF7A  }
0x26: {  	[smem:$0x3F9E] =	sst s1;
	(tag) =	ssettag s2;
	_ =	strace s9  }
0x27: {  	s1 =	sld [smem:$0x3FAE]  }
0x28: {  	s2 =	sld [smem:$0x3FAF]  }
0x29: {  	s4 =	sld [smem:$0x3FB1]  }
0x2a: {  	p0 =	seq.s32 s5, $0x0;
	s5 =	sld [smem:$0x3FB2]  }
0x2b: {  	s6 =	sld [smem:$0x3FB3]  }
0x2c: {  	s7 =	sld [smem:$0x3FB4]  }
0x2d: {  	s3 =	simm.s32 $0x108;
	s8 =	sld [smem:$0x3FB5]  }
0x2e: {  	s3 =	simm.s32 @!p0 $0x1082;
	s9 =	sld [smem:$0x3FB6]  }
0x2f: {  	lr =	sadd.s32 s0, s3;
	s0 =	sld [smem:$0x3FAD]  }
0x30: {  	s3 =	sld [smem:$0x3FB0]  }
0x31: {  	[smem:$0x3FB9] =	sst s10  }
0x32: {  	s10 =	sld [smem:$0x3FB7];
	_ =	sdelay $0x3  }
0x33: {  	p0 =	seq.s32 s10, $0x1;
	s10 =	sld [smem:$0x3FB9];
	_ =	sdelay $0x3  }
0x34: {  	[smem:$0x3FB9] =	sst s10  }
0x35: {  	s10 =	sld [smem:$0x3FB8];
	_ =	sdelay $0x3  }
0x36: {  	p1 =	seq.s32 s10, $0x1;
	s10 =	sld [smem:$0x3FB9];
	_ =	sdelay $0x3  }
0x37: {  	[smem:$0x3FB9] =	sst s10  }
0x38: {  	s10 =	sld [smem:$0x3FBA]  }
0x39: {  	_ = 	snop;
	(pc) =	sbr.ind lr, $3  }
0x3a: {  	_ = 	snop  }
0x3b: {  	_ = 	snop  }
0x3c: {  	p2 =	seq.s32 s10, $0x1;
	s10 =	sld [smem:$0x3FB9]  }
0x3d: {  	_ =	shalt  }
0x3e: {  	_ =	shalt  }
0x3f: {  	_ =	shalt  }
0x40: {  	_ =	shalt  }
0x41: {  	_ =	shalt  }
0x42: {  	_ =	shalt  }
0x43: {  	_ =	shalt  }
0x44: {  	_ =	shalt  }
0x45: {  	_ =	shalt  }
0x46: {  	_ =	shalt  }
0x47: {  	_ =	shalt  }
0x48: {  	_ =	shalt  }
0x49: {  	_ =	shalt  }
0x4a: {  	_ =	shalt  }
0x4b: {  	_ =	shalt  }
0x4c: {  	_ =	shalt  }
0x4d: {  	_ =	shalt  }
0x4e: {  	_ =	shalt  }
0x4f: {  	_ =	shalt  }
0x50: {  	_ =	shalt  }
0x51: {  	_ =	shalt  }
0x52: {  	_ =	shalt  }
0x53: {  	_ =	shalt  }
0x54: {  	_ =	shalt  }
0x55: {  	_ =	shalt  }
0x56: {  	_ =	shalt  }
0x57: {  	_ =	shalt  }
0x58: {  	_ =	shalt  }
0x59: {  	_ =	shalt  }
0x5a: {  	_ =	shalt  }
0x5b: {  	_ =	shalt  }
0x5c: {  	_ =	shalt  }
0x5d: {  	_ =	shalt  }
0x5e: {  	_ =	shalt  }
0x5f: {  	_ =	shalt  }
0x60: {  	_ =	shalt  }
0x61: {  	_ =	shalt  }
0x62: {  	_ =	shalt  }
0x63: {  	_ =	shalt  }
0x64: {  	_ =	shalt  }
0x65: {  	_ =	shalt  }
0x66: {  	_ =	shalt  }
0x67: {  	_ =	shalt  }
0x68: {  	_ =	shalt  }
0x69: {  	_ =	shalt  }
0x6a: {  	_ =	shalt  }
0x6b: {  	_ =	shalt  }
0x6c: {  	_ =	shalt  }
0x6d: {  	_ =	shalt  }
0x6e: {  	_ =	shalt  }
0x6f: {  	_ =	shalt  }
0x70: {  	_ =	shalt  }
0x71: {  	_ =	shalt  }
0x72: {  	_ =	shalt  }
0x73: {  	_ =	shalt  }
0x74: {  	_ =	shalt  }
0x75: {  	_ =	shalt  }
0x76: {  	_ =	shalt  }
0x77: {  	_ =	shalt  }
0x78: {  	_ =	shalt  }
0x79: {  	_ =	shalt  }
0x7a: {  	_ =	shalt  }
0x7b: {  	_ =	shalt  }
0x7c: {  	_ =	shalt  }
0x7d: {  	_ =	shalt  }
0x7e: {  	_ =	shalt  }
0x7f: {  	_ =	shalt  }
0x80: {  	_ =	shalt  }
0x81: {  	_ =	shalt  }
0x82: {  	_ =	shalt  }
0x83: {  	_ =	shalt  }
0x84: {  	_ =	shalt  }
0x85: {  	_ =	shalt  }
0x86: {  	_ =	shalt  }
0x87: {  	_ =	shalt  }
.Lfunc_end0:
.L_simem_size_0:
called_computation_lowered:
.L_overlay_start_0:
0x88: {  	s2 =	sld [smem:$0x3FD9]  }
0x89: {  	s3 =	sld [smem:$0x3FFE];
	_ =	sdelay $0x1  }
0x8a: {  	s1 =	srdreg.scid  }
0x8b: {  	s0 =	sand.u32 $0x1, s1  }
0x8c: {  	s15 =	sshll.u32 s0, $0xA;
	s2 =	sadd.s32 s3, s2  }
0x8d: {  	s2 =	sadd.s32 s2, s15  }
0x8e: {  	[smem:$0x3FC5] =	sst s2  }
0x8f: {  	_ = 	snop  }
0x90: {  	s2 =	sld [smem:$0x3FD0]  }
0x91: {  	s16 =	sld [smem:$0x3FC9]  }
0x92: {  	s4 =	sld [smem:$0x3FC8]  }
0x93: {  	s6 =	simm.s32 $0xA;
	s7 =	simm.s32 $0x10;
	s5 =	sld [smem:$0x3FC7]  }
0x94: {  	[smem:s7], [sflag:s6] =	dma.local [hbm:s2], $0x1  }
0x95: {  	_ =	swait.eq [sflag:s6], $0x1  }
0x96: {  	[sflag:s6] =	ssyncset.done $0x0  }
0x97: {  	s17 =	sld [smem:$0x10];
	[sflag:s6] =	ssyncadd.s32 $0xFFFFFFFF  }
0x98: {  	s18 =	sld [smem:$0x11];
	(tm) =	ssettm $0x1  }
0x99: {  	s19 =	sld [smem:$0x3FFB];
	_ =	sdelay $0x3  }
0x9a: {  	_ =	strace s19  }
0x9b: {  	s7 =	sld [smem:$0x3FFC];
	_ =	sdelay $0x3  }
0x9c: {  	_ =	strace s7  }
0x9d: {  	s7 =	sld [smem:$0x3FFD];
	_ =	sdelay $0x3  }
0x9e: {  	_ =	strace s7  }
0x9f: {  	_ =	strace $0x8FFFFFFF  }
0xa0: {  	s20 =	sld [smem:$0x3FDB];
	_ =	sdelay $0x1  }
0xa1: {  	s8 =	simm.s32 $_scs_section_size  }
0xa2: {  	s9 =	simm.s32 $_size__tile_overlayer_lowered;
	s10 =	simm.s32 $_tile_overlayer_lowered  }
0xa3: {  	s23 =	simm.s32 $0x1BFF;
	s22 =	sshll.u32 s10, $0x1;
	s7 =	sadd.s32 s8, s20  }
0xa4: {  	s11 =	simm.s32 $0x0;
	s21 =	sshll.u32 s9, $0x1;
	s9 =	sadd.s32 s22, s7  }
0xa5: {  	[timem:s11], [sflag:s23] =	dma.local [hbm:s9], s21  }
0xa6: {  	_ =	swait.ge [sflag:s23], s21  }
0xa7: {  	s8 =	ssub.s32 $0x0, s21;
	[sflag:s23] =	ssyncset.done $0x0  }
0xa8: {  	[sflag:s23] =	ssyncadd.s32 s8;
	_ =	sdelay $0x1  }
0xa9: {  	s24 =	simm.s32 $0x1B8B  }
0xaa: {  	_ =	swait.ge [sflag:s24], $0x1  }
0xab: {  	[sflag:s24] =	ssyncset.done $0x0  }
0xac: {  	s25 =	simm.s32 $0x1B8E;
	[sflag:s24] =	ssyncadd.s32 $0xFFFFFFFF  }
0xad: {  	s26 =	simm.s32 $execute0_lowered;
	[smem:$0x3FD2] =	sst s25  }
0xae: {  	s8 =	sshll.u32 s26, $0x1;
	_ =	strace $0x80000046;
	[dreg:$0x1] =	wrdreg $0xFFFFFFFF  }
0xaf: {  	s28 =	simm.s32 $_size_execute0_lowered;
	s7 =	sadd.s32 s7, s8;
	[dreg:$0x0] =	wrdreg $0x0  }
0xb0: {  	s8 =	sshll.u32 s28, $0x1;
	[dreg:$0x2] =	wrdreg s7  }
0xb1: {  	[dreg:$0x3] =	wrdreg s8  }
0xb2: {  	[dreg:$0x4] =	wrdreg $0xC0  }
0xb3: {  	_ =	task [dreg:s11], $0x5FFFF  }
0xb4: {  	[dreg:$0x1] =	wrdreg $0xFFFFFFFF  }
0xb5: {  	[dreg:$0x0] =	wrdreg $0x60  }
0xb6: {  	[dreg:$0x2] =	wrdreg s16  }
0xb7: {  	[dreg:$0x3] =	wrdreg s4  }
0xb8: {  	[dreg:$0x4] =	wrdreg s5  }
0xb9: {  	[dreg:$0x5] =	wrdreg s17  }
0xba: {  	[dreg:$0x6] =	wrdreg s18  }
0xbb: {  	[dreg:$0x7] =	wrdreg $0x9  }
0xbc: {  	_ =	task.clear_ibuf [dreg:s11], $0x8FFFF;
	_ =	strace $0x90000046  }
0xbd: {  	s29 =	simm.s32 $0x9;
	_ =	strace $0x80000048  }
0xbe: {  	_ =	swait.ge [sflag:s29], $0x1  }
0xbf: {  	[sflag:s29] =	ssyncadd.s32 $0xFFFFFFFF  }
0xc0: {  	_ =	strace $0x90000048  }
0xc1: {  	_ =	sfence  }
0xc2: {  	s30 =	sld [smem:$0x0];
	_ =	sdelay $0x2  }
0xc3: {  	s31 =	sshll.u32 s1, $0xD;
	s1 =	sshrl.u32 s1, $0x2  }
0xc4: {  	s3 =	sand.u32 $0x4000, s31;
	s1 =	sadd.s32 s1, s30  }
0xc5: {  	s0 =	sor.u32 s3, s0;
	s1 =	sshll.u32 s1, $0x11  }
0xc6: {  	s0 =	sor.u32 s1, s0  }
0xc7: {  	s0 =	sadd.s32 $0x8F2B, s0  }
0xc8: {  	[sflag:s0] =	ssyncadd.remote.s32 $0x1  }
0xc9: {  	_ =	sfence.sel $0xFFFF  }
0xca: {  	[dreg:$0x0] =	wrdreg $0xFFFFFFFF;
	(pc) =	sbr.abs _section_cstart, $3  }
0xcb: {  	[dreg:$0x1] =	wrdreg $0xFFFFFFFF  }
0xcc: {  	_ =	task.clear_ibuf [dreg:s11], $0x2FFFF;
	_ =	strace $0x9FFFFFFF  }
0xcd: {  	(tm) =	ssettm $0x7FFFFFFF  }
tec
execute0_lowered:
.L_overlay_start_1:
0x0: {  	(tag) =	ssettag $0x1  }
0x1: {  	s1 =	rddreg [dreg:$0x0]  }
0x2: {  	s0 =	rddreg [dreg:$0x1]  }
0x3: {  	s8 =	rddreg [dreg:$0x2]  }
0x4: {  	s9 =	rddreg [dreg:$0x3]  }
0x5: {  	s11 =	rddreg [dreg:$0x4]  }
0x6: {  	s2 =	srdreg.scid;
	s3 =	simm.s32 $0x0;
	s30 =	stileid.u32  }
0x7: {  	s15 =	simm.s32 $0x2780;
	s16 =	simm.s32 $0x7680;
	s17 =	simm.s32 $0xED00  }
0x8: {  	s18 =	simm.s32 $0x10100;
	s19 =	simm.s32 $0x1;
	s20 =	simm.s32 $0x9E00  }
0x9: {  	s21 =	simm.s32 $0xC580;
	s22 =	simm.s32 $0x11500;
	s23 =	simm.s32 $0x2  }
0xa: {  	s24 =	simm.s32 $0x12900;
	s25 =	simm.s32 $0x0;
	s4 =	sand.u32 $0x1, s2  }
0xb: {  	[smem:$0x7FF] =	sst s3;
	s5 =	ssub.s32 $0x2, s4;
	s4 =	sshll.u32 s4, $0x4  }
0xc: {  	_ =	strace $0x80000047;
	s6 =	sshrl.u32 s5, $0x1;
	s7 =	sor.u32 s30, s4  }
0xd: {  	s4 =	sadd.s32 $0x9C4, s1;
	s13 =	ssub.s32 s5, s6;
	s10 =	smul.u32 $0x1388, s7  }
0xe: {  	s5 =	sadd.s32 $0x4E2, s1;
	s12 =	smul.u32 $0x2710, s7;
	s6 =	sadd.s32 $0xEA6, s1  }
0xf: {  	v0 =	vlaneseq.u32;
	s14 =	smul.u32 $0x4E2, s7;
	s13 =	smax.u32 s13, $0x1;
	s10 =	sshrl.u32 s10, $0x3  }
0x10: {  	v1 =	vmul.u32 $0xFFFFFFFF, v0;
	s31 =	sshrl.u32 s12, $0x3;
	s7 =	sadd.s32 s0, s10;
	s8 =	sadd.s32 s8, s10  }
0x11: {  	s9 =	sadd.s32 s9, s10;
	s10 =	sadd.s32 s11, s14;
	s0 =	sadd.s32 s11, s31  }
0x12: {  	vm0 =	vmmov $0xff;
	v0 =	vimm.f32 $0.0e+00;
	v1 =	vadd.s32 $0x1388, v1;
	s14 =	simm.s32 $0x4F00;
	s11 =	sadd.s32 $0x4E20, s9;
	s12 =	sadd.s32 $0x9C40, s0  }
.LBB2_1:
0x13: {  	[tilespmem:s3], [sflag:$0x1] =	stream.linear.gather [hbm4b:s1+s3], $0x2710, $0x38;
	[tilespmem:$0x13D00] =	vst v63  }
0x14: {  	_ = 	snop  }
0x15: {  	[tilespmem:s14], [sflag:$0x1] =	stream.linear.gather [hbm4b:s4+s3], $0x2710, $0x38;
	[tilespmem:$0x13D00] =	vst v63  }
0x16: {  	_ = 	snop  }
0x17: {  	[tilespmem:s15], [sflag:$0x1] =	stream.linear.gather [hbm4b:s5+s3], $0x2710, $0x38;
	[tilespmem:$0x13D00] =	vst v63  }
0x18: {  	_ = 	snop  }
0x19: {  	[tilespmem:s16], [sflag:$0x1] =	stream.linear.gather [hbm4b:s6+s3], $0x2710, $0x38;
	[tilespmem:$0x13D00] =	vst v63  }
0x1a: {  	_ = 	snop  }
0x1b: {  	[tilespmem:s17], [sflag:$0x1] =	stream.linear.gather [hbm4b:s7+s3], $0x1388, $0x38;
	[tilespmem:$0x13D00] =	vst v63  }
0x1c: {  	s0 =	simm.s32 $0x40;
	s26 =	simm.s32 $0x0  }
0x1d: {  	[tilespmem:s18], [sflag:$0x1] =	stream.linear.gather [hbm4b:s8+s3], $0x1388, $0x38;
	[tilespmem:$0x13D00] =	vst v63  }
.LBB2_2:
0x1e: {  	p0 =	sne.s32 s0, $0x9C00;
	[tilespmem:s26+$0x9E00] =	vst v0;
	s28 =	smov.u32 s0;
	s0 =	sadd.s32 $0x40, s0  }
.Ltmp0:
0x1f: {  	[tilespmem:s26+$0xC580] =	vst v0;
	(pc) =	sbr.rel @p0 .LBB2_2-.Ltmp0, $2  }
0x20: {  	_ =	sdelay $0x2  }
0x21: {  	s26 =	sshra.s32 s28, $0x2  }
0x22: {  	[tilespmem:s26+$0x9E00] =	vst v0  }
0x23: {  	[tilespmem:s26+$0xC580] =	vst v0  }
0x24: {  	_ =	swait.ge [sflag:s19], $0x2710  }
0x25: {  	[sflag:s19] =	ssyncset.done $0x0  }
0x26: {  	[sflag:s19] =	ssyncadd.s32 $0xFFFFD8F0  }
0x27: {  	_ =	swait.ge [sflag:s19], $0x2710  }
0x28: {  	[sflag:s19] =	ssyncset.done $0x0  }
0x29: {  	[sflag:s19] =	ssyncadd.s32 $0xFFFFD8F0  }
0x2a: {  	_ =	swait.ge [sflag:s19], $0x2710  }
0x2b: {  	[sflag:s19] =	ssyncset.done $0x0  }
0x2c: {  	[sflag:s19] =	ssyncadd.s32 $0xFFFFD8F0  }
0x2d: {  	_ =	swait.ge [sflag:s19], $0x2710  }
0x2e: {  	[sflag:s19] =	ssyncset.done $0x0  }
0x2f: {  	[sflag:s19] =	ssyncadd.s32 $0xFFFFD8F0  }
0x30: {  	_ =	swait.ge [sflag:s19], $0x1388  }
0x31: {  	[sflag:s19] =	ssyncset.done $0x0  }
0x32: {  	[sflag:s19] =	ssyncadd.s32 $0xFFFFEC78  }
0x33: {  	_ =	swait.ge [sflag:s19], $0x1388  }
0x34: {  	[sflag:s19] =	ssyncset.done $0x0  }
0x35: {  	[sflag:s19] =	ssyncadd.s32 $0xFFFFEC78  }
0x36: {  	v2 =	vld [tilespmem:$0x10080]  }
0x37: {  	v3 =	vld [tilespmem:$0x11480];
	_ =	sdelay $0x3  }
0x38: {  	v2 =	vnsel vm0, $0x0, v2  }
0x39: {  	[tilespmem:$0x10080] =	vst v2;
	v2 =	vnsel vm0, $0x0, v3  }
0x3a: {  	s26 =	simm.s32 $0xED00;
	[tilespmem:$0x11480] =	vst v2  }
0x3b: {  	s28 =	simm.s32 $0x10100;
	v3 =	vld [tilespmem:s26+$0x0]  }
0x3c: {  	v2 =	vld [tilespmem:s28+$0x0];
	_ =	sdelay $0x6  }
0x3d: {  	v4 =	vld.idx.msk [tilespmem:v3+s3+$0x0], $0xffff  }
0x3e: {  	v5 =	vld.idx.msk [tilespmem:v2+s14+$0x0], $0xffff;
	_ =	sdelay $0x4  }
0x3f: {  	v4 =	vadd.f32 v5, v4;
	_ =	sdelay $0x1  }
0x40: {  	v5 =	vmul.f32 $2.000000030e-01, v4  }
0x41: {  	vm1 =	vgt.f32 v4, $0.0e+00  }
0x42: {  	v4 =	vsel vm1, v4, v5  }
0x43: {  	v4 =	vmul.f32 $1.442695020e+00, v4;
	_ =	sdelay $0x1  }
0x44: {  	(erf) = vpow2.f32 v4;
	_ =	sdelay $0x2  }
0x45: {  	s0 =	simm.s32 $0x0  }
0x46: {  	v4 =	vmov s0  }
0x47: {  	vm1 =	vlt.u32 v4, v1;
	_ =	sdelay $0x3  }
0x48: {  	s29 =	simm.s32 $0x11500;
	v4 =	vpop (erf)  }
0x49: {  	[tilespmem:s29+$0x0] =	vst v4  }
0x4a: {  	[tilespmem:v2+s20+$0x0] =	vst.idx.add.f32.msk vm1, v4  }
0x4b: {  	v3 =	vld.idx.msk [tilespmem:v3+s15+$0x0], $0xffff  }
0x4c: {  	v4 =	vld.idx.msk [tilespmem:v2+s16+$0x0], $0xffff;
	_ =	sdelay $0x4  }
0x4d: {  	v3 =	vadd.f32 v4, v3;
	_ =	sdelay $0x1  }
0x4e: {  	v4 =	vmul.f32 $2.000000030e-01, v3  }
0x4f: {  	vm2 =	vgt.f32 v3, $0.0e+00  }
0x50: {  	v3 =	vsel vm2, v3, v4  }
0x51: {  	v3 =	vmul.f32 $1.442695020e+00, v3;
	_ =	sdelay $0x1  }
0x52: {  	(erf) = vpow2.f32 v3;
	_ =	sdelay $0x8  }
0x53: {  	s30 =	simm.s32 $0x10;
	s31 =	simm.s32 $0x12910;
	s0 =	simm.s32 $0x12900;
	v3 =	vpop (erf)  }
.LBB2_4:
0x54: {  	[tilespmem:s0+$0x0] =	vst v3;
	s26 =	sadd.s32 $0x10, s26;
	s28 =	sadd.s32 $0x10, s28;
	s29 =	sadd.s32 $0x10, s29  }
0x55: {  	p0 =	sne.s32 s30, $0x1380;
	s2 =	smov.u32 s30;
	s30 =	sadd.s32 $0x10, s30;
	[tilespmem:v2+s21+$0x0] =	vst.idx.add.f32.msk vm1, v3  }
0x56: {  	s0 =	smov.u32 s31;
	v3 =	vld [tilespmem:s26+$0x0]  }
0x57: {  	v2 =	vld [tilespmem:s28+$0x0];
	_ =	sdelay $0x6  }
0x58: {  	v4 =	vld.idx.msk [tilespmem:v3+s3+$0x0], $0xffff  }
0x59: {  	v5 =	vld.idx.msk [tilespmem:v2+s14+$0x0], $0xffff;
	_ =	sdelay $0x5  }
0x5a: {  	v4 =	vadd.f32 v5, v4;
	_ =	sdelay $0x1  }
0x5b: {  	v5 =	vmul.f32 $2.000000030e-01, v4  }
0x5c: {  	vm1 =	vgt.f32 v4, $0.0e+00  }
0x5d: {  	v4 =	vsel vm1, v4, v5  }
0x5e: {  	v4 =	vmul.f32 $1.442695020e+00, v4;
	_ =	sdelay $0x1  }
0x5f: {  	(erf) = vpow2.f32 v4;
	_ =	sdelay $0x3  }
0x60: {  	v4 =	vmov s2  }
0x61: {  	vm1 =	vlt.u32 v4, v1;
	_ =	sdelay $0x3  }
0x62: {  	v4 =	vpop (erf)  }
0x63: {  	[tilespmem:s29+$0x0] =	vst v4  }
0x64: {  	[tilespmem:v2+s20+$0x0] =	vst.idx.add.f32.msk vm1, v4  }
0x65: {  	v3 =	vld.idx.msk [tilespmem:v3+s15+$0x0], $0xffff  }
0x66: {  	v4 =	vld.idx.msk [tilespmem:v2+s16+$0x0], $0xffff;
	_ =	sdelay $0x5  }
0x67: {  	v3 =	vadd.f32 v4, v3;
	_ =	sdelay $0x1  }
0x68: {  	vm2 =	vgt.f32 v3, $0.0e+00;
	v4 =	vmul.f32 $2.000000030e-01, v3;
	_ =	sdelay $0x1  }
0x69: {  	v3 =	vsel vm2, v3, v4  }
0x6a: {  	v3 =	vmul.f32 $1.442695020e+00, v3;
	_ =	sdelay $0x1  }
0x6b: {  	(erf) = vpow2.f32 v3;
	_ =	sdelay $0x4  }
.Ltmp1:
0x6c: {  	(pc) =	sbr.rel @p0 .LBB2_4-.Ltmp1, $2  }
0x6d: {  	_ =	sdelay $0x2  }
0x6e: {  	s31 =	sadd.s32 $0x10, s31;
	v3 =	vpop (erf)  }
0x6f: {  	_ =	sdelay $0x3  }
0x70: {  	[tilespmem:s0+$0x0] =	vst v3  }
0x71: {  	[tilespmem:v2+s21+$0x0] =	vst.idx.add.f32.msk vm1, v3  }
0x72: {  	[hbm4b:s9+s3] =	stream.linear.scatter [tilespmem:s22], [sflag:$0x2], $0x1388, $0x38;
	[tilespmem:$0x13D00] =	vst v63  }
0x73: {  	_ =	swait.ge [sflag:s23], $0x1388  }
0x74: {  	[sflag:s23] =	ssyncset.done $0x0  }
0x75: {  	[sflag:s23] =	ssyncadd.s32 $0xFFFFEC78  }
0x76: {  	[hbm4b:s10+s3] =	stream.linear.scatter [tilespmem:s20], [sflag:$0x2], $0x2710, $0x38;
	[tilespmem:$0x13D00] =	vst v63  }
0x77: {  	_ =	swait.ge [sflag:s23], $0x2710  }
0x78: {  	[sflag:s23] =	ssyncset.done $0x0  }
0x79: {  	[sflag:s23] =	ssyncadd.s32 $0xFFFFD8F0  }
0x7a: {  	[hbm4b:s11+s3] =	stream.linear.scatter [tilespmem:s24], [sflag:$0x2], $0x1388, $0x38;
	[tilespmem:$0x13D00] =	vst v63  }
0x7b: {  	s25 =	sadd.s32 $0x1, s25;
	_ =	swait.ge [sflag:s23], $0x1388  }
0x7c: {  	p0 =	sne.s32 s25, s13;
	[sflag:s23] =	ssyncset.done $0x0  }
.Ltmp2:
0x7d: {  	[sflag:s23] =	ssyncadd.s32 $0xFFFFEC78;
	(pc) =	sbr.rel @p0 .LBB2_1-.Ltmp2, $4  }
0x7e: {  	[hbm4b:s12+s3] =	stream.linear.scatter [tilespmem:s21], [sflag:$0x2], $0x2710, $0x38;
	[tilespmem:$0x13D00] =	vst v63  }
0x7f: {  	_ =	swait.ge [sflag:s23], $0x2710  }
0x80: {  	[sflag:s23] =	ssyncset.done $0x0  }
0x81: {  	[sflag:s23] =	ssyncadd.s32 $0xFFFFD8F0  }
0x82: {  	_ =	sfence.sel $0x180000  }
0x83: {  	[bflag:$0x0] =	sbarrier.arrive $0xFFFF  }
0x84: {  	_ =	strace $0x90000047  }
0x85: {  	s0 =	stileid.u32;
	[bflag:$0x2] =	sbarrier.arrive $0xFFFF  }
0x86: {  	p0 =	sne.s32 s0, $0x0;
	s0 =	rddreg [dreg:$0x5]  }
0x87: {  	s0 =	sadd.s32 @!p0 $0x100000, s0  }
0x88: {  	[sflag:s0] =	ssyncadd.tile.s32 @!p0 $0x1;
	_ =	shalt  }
.Lfunc_end2:
_tile_overlayer_lowered:
.L_overlay_start_2:
0x89: {  	(tag) =	ssettag $0x2  }
0x8a: {  	s0 =	rddreg [dreg:$0x0];
	s2 =	stileid.u32  }
0x8b: {  	s1 =	rddreg [dreg:$0x1];
	p0 =	sne.s32 s2, $0x0  }
0x8c: {  	s3 =	rddreg [dreg:$0x2];
	[bflag:$0x3] =	sbarrier.arrive $0xFFFF;
	s2 =	simm.s32 @!p0 $0x1C02  }
0x8d: {  	[timem:s3], [sflag:s2] =	dma.local @!p0 [hbm:s0], s1  }
0x8e: {  	s0 =	simm.s32 @!p0 $0x2  }
0x8f: {  	_ =	swait.ge @!p0 [sflag:s0], s1  }
0x90: {  	s1 =	ssub.s32 @!p0 $0x0, s1;
	[sflag:s0] =	ssyncset.done @!p0 $0x0  }
0x91: {  	[sflag:s0] =	ssyncadd.s32 @!p0 s1  }
0x92: {  	[bflag:$0x3] =	sbarrier.arrive $0xFFFF  }
0x93: {  	_ =	shalt  }

</sc_bundles>
